<compile_context>
chip_gen: v7x
topology: tpu7x:2x2x1
jax: 0.10.2.dev20260603
libtpu: 0.0.44.dev20260713+nightly
codegen_flags: <defaults>
</compile_context>

<pallas_src>
import jax
import jax.numpy as jnp
from jax import lax
from jax.experimental import pallas as pl
from jax.experimental.pallas import tpu as pltpu
from jax.experimental.pallas import tpu_sc as plsc

BATCH = 4096
DIM = 128
LANES = 16
NUM_WORKERS = 32
B_PER_W = BATCH // NUM_WORKERS
CHUNKS = DIM // LANES


def _body(
    session_idx_hbm,
    subject_idx_hbm,
    session_table_hbm,
    subject_table_hbm,
    session_flag_hbm,
    subject_flag_hbm,
    out_hbm,
    idx_s_v,
    idx_u_v,
    rows_s_v,
    rows_u_v,
    flag_s_v,
    flag_u_v,
    sem_is,
    sem_iu,
    sem_flag,
    sem_s,
    sem_u,
    sem_out,
):
    wid = lax.axis_index("s") * 2 + lax.axis_index("c")
    base = wid * B_PER_W

    cp_is = pltpu.async_copy(session_idx_hbm.at[pl.ds(base, B_PER_W)], idx_s_v, sem_is)
    cp_iu = pltpu.async_copy(subject_idx_hbm.at[pl.ds(base, B_PER_W)], idx_u_v, sem_iu)
    cp_fs = pltpu.async_copy(session_flag_hbm, flag_s_v, sem_flag)
    cp_fu = pltpu.async_copy(subject_flag_hbm, flag_u_v, sem_flag)

    cp_is.wait()
    g_s = pltpu.async_copy(session_table_hbm.at[idx_s_v], rows_s_v, sem_s)
    cp_iu.wait()
    g_u = pltpu.async_copy(subject_table_hbm.at[idx_u_v], rows_u_v, sem_u)

    cp_fs.wait()
    cp_fu.wait()
    fl_s = [flag_s_v[pl.ds(c * LANES, LANES)] for c in range(CHUNKS)]
    fl_u = [flag_u_v[pl.ds(c * LANES, LANES)] for c in range(CHUNKS)]

    def add_flags(rows_v, fl):
        @plsc.parallel_loop(0, B_PER_W, unroll=1)
        def _(r):
            for c in range(CHUNKS):
                sl = pl.ds(c * LANES, LANES)
                rows_v[r, sl] = rows_v[r, sl] + fl[c]

    g_s.wait()
    add_flags(rows_s_v, fl_s)
    put_s = pltpu.async_copy(rows_s_v, out_hbm.at[pl.ds(base, B_PER_W), 0], sem_out)

    g_u.wait()
    add_flags(rows_u_v, fl_u)
    put_u = pltpu.async_copy(rows_u_v, out_hbm.at[pl.ds(base, B_PER_W), 1], sem_out)

    put_s.wait()
    put_u.wait()


@jax.jit
def kernel(session_idx, subject_idx, session_table, subject_table, session_flag, subject_flag):
    mesh = plsc.VectorSubcoreMesh(core_axis_name="c", subcore_axis_name="s")
    run = pl.kernel(
        _body,
        out_type=jax.ShapeDtypeStruct((BATCH, 2, DIM), jnp.float32),
        mesh=mesh,
        scratch_types=[
            pltpu.VMEM((B_PER_W,), jnp.int32),
            pltpu.VMEM((B_PER_W,), jnp.int32),
            pltpu.VMEM((B_PER_W, DIM), jnp.float32),
            pltpu.VMEM((B_PER_W, DIM), jnp.float32),
            pltpu.VMEM((DIM,), jnp.float32),
            pltpu.VMEM((DIM,), jnp.float32),
            pltpu.SemaphoreType.DMA,
            pltpu.SemaphoreType.DMA,
            pltpu.SemaphoreType.DMA,
            pltpu.SemaphoreType.DMA,
            pltpu.SemaphoreType.DMA,
            pltpu.SemaphoreType.DMA,
        ],
    )
    return run(
        session_idx.astype(jnp.int32),
        subject_idx.astype(jnp.int32),
        session_table,
        subject_table,
        session_flag,
        subject_flag,
    )

# --- scband reference (transcript-rebuilt; emitter-appended) ---
"""Pipeline reference for scband-context-manager-7627861917856 (READ-ONLY COPY).

The authoritative reference and input builder live on the scoring server;
editing this copy changes nothing except your own understanding.
"""

import jax, jax.numpy as jnp
import numpy as np

BATCH = 4096
VOCAB = 1000
DIM = 128


def setup_inputs(seed: int = 0) -> dict:
    key = jax.random.key(seed)
    k1, k2, k3, k4, k5, k6 = jax.random.split(key, 6)
    session_idx = jax.random.randint(k1, (BATCH,), 0, VOCAB)
    subject_idx = jax.random.randint(k2, (BATCH,), 0, VOCAB)
    # Learned parameters: InfiniteVocabEmbedding ~ embedding table with init_scale=1.0,
    # plus a per-key flag vector initialized randn(dim)/sqrt(dim).
    session_table = jax.random.normal(k3, (VOCAB, DIM), dtype=jnp.float32)
    subject_table = jax.random.normal(k4, (VOCAB, DIM), dtype=jnp.float32)
    session_flag = jax.random.normal(k5, (DIM,), dtype=jnp.float32) / np.sqrt(DIM)
    subject_flag = jax.random.normal(k6, (DIM,), dtype=jnp.float32) / np.sqrt(DIM)
    return {
        "session_idx": session_idx,
        "subject_idx": subject_idx,
        "session_table": session_table,
        "subject_table": subject_table,
        "session_flag": session_flag,
        "subject_flag": subject_flag,
    }


def reference(session_idx, subject_idx, session_table, subject_table, session_flag, subject_flag):
    # For each ctx key: emb(token) + flag, cast to target dtype (float32 here),
    # then stack along dim=1 -> [B, n_keys, dim]
    session_emb = jnp.take(session_table, session_idx, axis=0) + session_flag
    subject_emb = jnp.take(subject_table, subject_idx, axis=0) + subject_flag
    ctx_emb = jnp.stack([session_emb.astype(jnp.float32), subject_emb.astype(jnp.float32)], axis=1)
    return ctx_emb

if __name__ == "__main__":
    import jax
    _d = setup_inputs()
    print(jax.jit(kernel)(*tuple(_d.values())))

</pallas_src>

<mosaic_0001>
#map = affine_map<(d0, d1) -> (0)>
#map1 = affine_map<(d0, d1) -> (0, 0)>
#map2 = affine_map<(d0, d1) -> (0, 0, 0)>
module attributes {stable_mosaic.version = 14 : i64} {
  func.func @_body(%arg0: i32, %arg1: i32, %arg2: memref<4096xi32, #tpu.memory_space<hbm>>, %arg3: memref<4096xi32, #tpu.memory_space<hbm>>, %arg4: memref<1000x128xf32, #tpu.memory_space<hbm>>, %arg5: memref<1000x128xf32, #tpu.memory_space<hbm>>, %arg6: memref<128xf32, #tpu.memory_space<hbm>>, %arg7: memref<128xf32, #tpu.memory_space<hbm>>, %arg8: memref<4096x2x128xf32, #tpu.memory_space<hbm>>, %arg9: memref<128xi32, #tpu.memory_space<vmem>>, %arg10: memref<128xi32, #tpu.memory_space<vmem>>, %arg11: memref<128x128xf32, #tpu.memory_space<vmem>>, %arg12: memref<128x128xf32, #tpu.memory_space<vmem>>, %arg13: memref<128xf32, #tpu.memory_space<vmem>>, %arg14: memref<128xf32, #tpu.memory_space<vmem>>, %arg15: memref<!tpu.dma_semaphore, #tpu.memory_space<semaphore_mem>>, %arg16: memref<!tpu.dma_semaphore, #tpu.memory_space<semaphore_mem>>, %arg17: memref<!tpu.dma_semaphore, #tpu.memory_space<semaphore_mem>>, %arg18: memref<!tpu.dma_semaphore, #tpu.memory_space<semaphore_mem>>, %arg19: memref<!tpu.dma_semaphore, #tpu.memory_space<semaphore_mem>>, %arg20: memref<!tpu.dma_semaphore, #tpu.memory_space<semaphore_mem>>) attributes {dimension_semantics = [#tpu.dimension_semantics<core_parallel>, #tpu.dimension_semantics<subcore_parallel>], iteration_bounds = array<i64: 2, 16>, scalar_prefetch = 0 : i64, scratch_operands = 12 : i64, tpu.core_type = #tpu.core_type<sc_vector_subcore>, window_params = [{transform_indices = #map}, {transform_indices = #map}, {transform_indices = #map1}, {transform_indices = #map1}, {transform_indices = #map}, {transform_indices = #map}, {transform_indices = #map2}]} {
    %mul3A = arith.constant 2 : i32
    %mul3A_0 = arith.muli %arg1, %mul3A : i32
    %add3A = arith.addi %mul3A_0, %arg0 : i32
    %mul3A_1 = arith.constant 128 : i32
    %mul3A_2 = arith.muli %add3A, %mul3A_1 : i32
    %dma_start3A = tpu.memref_slice %arg2[%mul3A_2] : memref<4096xi32, #tpu.memory_space<hbm>> -> memref<128xi32, #tpu.memory_space<hbm>>
    %dma_start3A_3 = tpu.memref_slice %arg2[%mul3A_2] : memref<4096xi32, #tpu.memory_space<hbm>> -> memref<128xi32, #tpu.memory_space<hbm>>
    tpu.enqueue_dma source(%dma_start3A_3 : memref<128xi32, #tpu.memory_space<hbm>>) target(%arg9 : memref<128xi32, #tpu.memory_space<vmem>>) target_semaphore(%arg15 : memref<!tpu.dma_semaphore, #tpu.memory_space<semaphore_mem>>)
    %dma_start3A_4 = tpu.memref_slice %arg3[%mul3A_2] : memref<4096xi32, #tpu.memory_space<hbm>> -> memref<128xi32, #tpu.memory_space<hbm>>
    %dma_start3A_5 = tpu.memref_slice %arg3[%mul3A_2] : memref<4096xi32, #tpu.memory_space<hbm>> -> memref<128xi32, #tpu.memory_space<hbm>>
    tpu.enqueue_dma source(%dma_start3A_5 : memref<128xi32, #tpu.memory_space<hbm>>) target(%arg10 : memref<128xi32, #tpu.memory_space<vmem>>) target_semaphore(%arg16 : memref<!tpu.dma_semaphore, #tpu.memory_space<semaphore_mem>>)
    tpu.enqueue_dma source(%arg6 : memref<128xf32, #tpu.memory_space<hbm>>) target(%arg13 : memref<128xf32, #tpu.memory_space<vmem>>) target_semaphore(%arg17 : memref<!tpu.dma_semaphore, #tpu.memory_space<semaphore_mem>>)
    tpu.enqueue_dma source(%arg7 : memref<128xf32, #tpu.memory_space<hbm>>) target(%arg14 : memref<128xf32, #tpu.memory_space<vmem>>) target_semaphore(%arg17 : memref<!tpu.dma_semaphore, #tpu.memory_space<semaphore_mem>>)
    %dma_wait3A = tpu.memref_slice %arg2[%mul3A_2] : memref<4096xi32, #tpu.memory_space<hbm>> -> memref<128xi32, #tpu.memory_space<hbm>>
    %dma_wait3A_6 = tpu.memref_slice %arg2[%mul3A_2] : memref<4096xi32, #tpu.memory_space<hbm>> -> memref<128xi32, #tpu.memory_space<hbm>>
    tpu.wait_dma2 semaphore(%arg15 : memref<!tpu.dma_semaphore, #tpu.memory_space<semaphore_mem>>) src(%dma_wait3A_6 : memref<128xi32, #tpu.memory_space<hbm>>) dst(%arg9 : memref<128xi32, #tpu.memory_space<vmem>>)
    %dma_start3A_7 = arith.constant 0 : i32
    %dma_start3A_8 = arith.constant 0 : i32
    %dma_start3A_9 = tpu.memref_slice %arg4[%dma_start3A_7, %dma_start3A_8] : memref<1000x128xf32, #tpu.memory_space<hbm>> -> memref<1000x128xf32, #tpu.memory_space<hbm>>
    tpu.enqueue_indirect_dma source(%dma_start3A_9 : memref<1000x128xf32, #tpu.memory_space<hbm>>) target(%arg11 : memref<128x128xf32, #tpu.memory_space<vmem>>) offsets(%arg9 : memref<128xi32, #tpu.memory_space<vmem>>) semaphore(%arg18 : memref<!tpu.dma_semaphore, #tpu.memory_space<semaphore_mem>>)
    %dma_wait3A_10 = tpu.memref_slice %arg3[%mul3A_2] : memref<4096xi32, #tpu.memory_space<hbm>> -> memref<128xi32, #tpu.memory_space<hbm>>
    %dma_wait3A_11 = tpu.memref_slice %arg3[%mul3A_2] : memref<4096xi32, #tpu.memory_space<hbm>> -> memref<128xi32, #tpu.memory_space<hbm>>
    tpu.wait_dma2 semaphore(%arg16 : memref<!tpu.dma_semaphore, #tpu.memory_space<semaphore_mem>>) src(%dma_wait3A_11 : memref<128xi32, #tpu.memory_space<hbm>>) dst(%arg10 : memref<128xi32, #tpu.memory_space<vmem>>)
    %dma_start3A_12 = arith.constant 0 : i32
    %dma_start3A_13 = arith.constant 0 : i32
    %dma_start3A_14 = tpu.memref_slice %arg5[%dma_start3A_12, %dma_start3A_13] : memref<1000x128xf32, #tpu.memory_space<hbm>> -> memref<1000x128xf32, #tpu.memory_space<hbm>>
    tpu.enqueue_indirect_dma source(%dma_start3A_14 : memref<1000x128xf32, #tpu.memory_space<hbm>>) target(%arg12 : memref<128x128xf32, #tpu.memory_space<vmem>>) offsets(%arg10 : memref<128xi32, #tpu.memory_space<vmem>>) semaphore(%arg19 : memref<!tpu.dma_semaphore, #tpu.memory_space<semaphore_mem>>)
    tpu.wait_dma2 semaphore(%arg17 : memref<!tpu.dma_semaphore, #tpu.memory_space<semaphore_mem>>) src(%arg6 : memref<128xf32, #tpu.memory_space<hbm>>) dst(%arg13 : memref<128xf32, #tpu.memory_space<vmem>>)
    tpu.wait_dma2 semaphore(%arg17 : memref<!tpu.dma_semaphore, #tpu.memory_space<semaphore_mem>>) src(%arg7 : memref<128xf32, #tpu.memory_space<hbm>>) dst(%arg14 : memref<128xf32, #tpu.memory_space<vmem>>)
    %get3A = arith.constant 0 : index
    %get3A_15 = tpu.vector_load %arg13[%get3A] {strides = array<i32>} : memref<128xf32, #tpu.memory_space<vmem>>, vector<16xf32>,
    %get3A_16 = vector.shape_cast %get3A_15 : vector<16xf32> to vector<16xf32>
    %get3A_17 = arith.constant 16 : index
    %get3A_18 = tpu.vector_load %arg13[%get3A_17] {strides = array<i32>} : memref<128xf32, #tpu.memory_space<vmem>>, vector<16xf32>,
    %get3A_19 = vector.shape_cast %get3A_18 : vector<16xf32> to vector<16xf32>
    %get3A_20 = arith.constant 32 : index
    %get3A_21 = tpu.vector_load %arg13[%get3A_20] {strides = array<i32>} : memref<128xf32, #tpu.memory_space<vmem>>, vector<16xf32>,
    %get3A_22 = vector.shape_cast %get3A_21 : vector<16xf32> to vector<16xf32>
    %get3A_23 = arith.constant 48 : index
    %get3A_24 = tpu.vector_load %arg13[%get3A_23] {strides = array<i32>} : memref<128xf32, #tpu.memory_space<vmem>>, vector<16xf32>,
    %get3A_25 = vector.shape_cast %get3A_24 : vector<16xf32> to vector<16xf32>
    %get3A_26 = arith.constant 64 : index
    %get3A_27 = tpu.vector_load %arg13[%get3A_26] {strides = array<i32>} : memref<128xf32, #tpu.memory_space<vmem>>, vector<16xf32>,
    %get3A_28 = vector.shape_cast %get3A_27 : vector<16xf32> to vector<16xf32>
    %get3A_29 = arith.constant 80 : index
    %get3A_30 = tpu.vector_load %arg13[%get3A_29] {strides = array<i32>} : memref<128xf32, #tpu.memory_space<vmem>>, vector<16xf32>,
    %get3A_31 = vector.shape_cast %get3A_30 : vector<16xf32> to vector<16xf32>
    %get3A_32 = arith.constant 96 : index
    %get3A_33 = tpu.vector_load %arg13[%get3A_32] {strides = array<i32>} : memref<128xf32, #tpu.memory_space<vmem>>, vector<16xf32>,
    %get3A_34 = vector.shape_cast %get3A_33 : vector<16xf32> to vector<16xf32>
    %get3A_35 = arith.constant 112 : index
    %get3A_36 = tpu.vector_load %arg13[%get3A_35] {strides = array<i32>} : memref<128xf32, #tpu.memory_space<vmem>>, vector<16xf32>,
    %get3A_37 = vector.shape_cast %get3A_36 : vector<16xf32> to vector<16xf32>
    %get3A_38 = arith.constant 0 : index
    %get3A_39 = tpu.vector_load %arg14[%get3A_38] {strides = array<i32>} : memref<128xf32, #tpu.memory_space<vmem>>, vector<16xf32>,
    %get3A_40 = vector.shape_cast %get3A_39 : vector<16xf32> to vector<16xf32>
    %get3A_41 = arith.constant 16 : index
    %get3A_42 = tpu.vector_load %arg14[%get3A_41] {strides = array<i32>} : memref<128xf32, #tpu.memory_space<vmem>>, vector<16xf32>,
    %get3A_43 = vector.shape_cast %get3A_42 : vector<16xf32> to vector<16xf32>
    %get3A_44 = arith.constant 32 : index
    %get3A_45 = tpu.vector_load %arg14[%get3A_44] {strides = array<i32>} : memref<128xf32, #tpu.memory_space<vmem>>, vector<16xf32>,
    %get3A_46 = vector.shape_cast %get3A_45 : vector<16xf32> to vector<16xf32>
    %get3A_47 = arith.constant 48 : index
    %get3A_48 = tpu.vector_load %arg14[%get3A_47] {strides = array<i32>} : memref<128xf32, #tpu.memory_space<vmem>>, vector<16xf32>,
    %get3A_49 = vector.shape_cast %get3A_48 : vector<16xf32> to vector<16xf32>
    %get3A_50 = arith.constant 64 : index
    %get3A_51 = tpu.vector_load %arg14[%get3A_50] {strides = array<i32>} : memref<128xf32, #tpu.memory_space<vmem>>, vector<16xf32>,
    %get3A_52 = vector.shape_cast %get3A_51 : vector<16xf32> to vector<16xf32>
    %get3A_53 = arith.constant 80 : index
    %get3A_54 = tpu.vector_load %arg14[%get3A_53] {strides = array<i32>} : memref<128xf32, #tpu.memory_space<vmem>>, vector<16xf32>,
    %get3A_55 = vector.shape_cast %get3A_54 : vector<16xf32> to vector<16xf32>
    %get3A_56 = arith.constant 96 : index
    %get3A_57 = tpu.vector_load %arg14[%get3A_56] {strides = array<i32>} : memref<128xf32, #tpu.memory_space<vmem>>, vector<16xf32>,
    %get3A_58 = vector.shape_cast %get3A_57 : vector<16xf32> to vector<16xf32>
    %get3A_59 = arith.constant 112 : index
    %get3A_60 = tpu.vector_load %arg14[%get3A_59] {strides = array<i32>} : memref<128xf32, #tpu.memory_space<vmem>>, vector<16xf32>,
    %get3A_61 = vector.shape_cast %get3A_60 : vector<16xf32> to vector<16xf32>
    %dma_wait3A_62 = arith.constant 0 : i32
    %dma_wait3A_63 = arith.constant 0 : i32
    %dma_wait3A_64 = tpu.memref_slice %arg4[%dma_wait3A_62, %dma_wait3A_63] : memref<1000x128xf32, #tpu.memory_space<hbm>> -> memref<1000x128xf32, #tpu.memory_space<hbm>>
    tpu.wait_indirect_dma semaphore(%arg18 : memref<!tpu.dma_semaphore, #tpu.memory_space<semaphore_mem>>) src(%dma_wait3A_64 : memref<1000x128xf32, #tpu.memory_space<hbm>>) dst(%arg11 : memref<128x128xf32, #tpu.memory_space<vmem>>)
    %parallel_loop3A = arith.constant 0 : i32
    %parallel_loop3A_65 = arith.constant 128 : i32
    %parallel_loop3A_66 = arith.constant 1 : i32
    scf.for %parallel_loop3A_101 = %parallel_loop3A to %parallel_loop3A_65 step %parallel_loop3A_66  : i32 {
      %parallel_loop3A_102 = arith.index_cast %parallel_loop3A_101 : i32 to index
      %parallel_loop3A_103 = arith.constant 0 : index
      %parallel_loop3A_104 = tpu.vector_load %arg11[%parallel_loop3A_102, %parallel_loop3A_103] {strides = array<i32>} : memref<128x128xf32, #tpu.memory_space<vmem>>, vector<1x16xf32>,
      %parallel_loop3A_105 = vector.shape_cast %parallel_loop3A_104 : vector<1x16xf32> to vector<16xf32>
      %parallel_loop3A_106 = arith.addf %parallel_loop3A_105, %get3A_16 : vector<16xf32>
      %parallel_loop3A_107 = arith.index_cast %parallel_loop3A_101 : i32 to index
      %parallel_loop3A_108 = arith.constant 0 : index
      %parallel_loop3A_109 = tpu.vector_load %arg11[%parallel_loop3A_107, %parallel_loop3A_108] {strides = array<i32>} : memref<128x128xf32, #tpu.memory_space<vmem>>, vector<1x16xf32>,
      %parallel_loop3A_110 = vector.shape_cast %parallel_loop3A_109 : vector<1x16xf32> to vector<16xf32>
      %parallel_loop3A_111 = vector.shape_cast %parallel_loop3A_106 : vector<16xf32> to vector<1x16xf32>
      tpu.vector_store %arg11[%parallel_loop3A_107, %parallel_loop3A_108], %parallel_loop3A_111 {strides = array<i32>} : memref<128x128xf32, #tpu.memory_space<vmem>>, vector<1x16xf32>,
      %parallel_loop3A_112 = arith.index_cast %parallel_loop3A_101 : i32 to index
      %parallel_loop3A_113 = arith.constant 16 : index
      %parallel_loop3A_114 = tpu.vector_load %arg11[%parallel_loop3A_112, %parallel_loop3A_113] {strides = array<i32>} : memref<128x128xf32, #tpu.memory_space<vmem>>, vector<1x16xf32>,
      %parallel_loop3A_115 = vector.shape_cast %parallel_loop3A_114 : vector<1x16xf32> to vector<16xf32>
      %parallel_loop3A_116 = arith.addf %parallel_loop3A_115, %get3A_19 : vector<16xf32>
      %parallel_loop3A_117 = arith.index_cast %parallel_loop3A_101 : i32 to index
      %parallel_loop3A_118 = arith.constant 16 : index
      %parallel_loop3A_119 = tpu.vector_load %arg11[%parallel_loop3A_117, %parallel_loop3A_118] {strides = array<i32>} : memref<128x128xf32, #tpu.memory_space<vmem>>, vector<1x16xf32>,
      %parallel_loop3A_120 = vector.shape_cast %parallel_loop3A_119 : vector<1x16xf32> to vector<16xf32>
      %parallel_loop3A_121 = vector.shape_cast %parallel_loop3A_116 : vector<16xf32> to vector<1x16xf32>
      tpu.vector_store %arg11[%parallel_loop3A_117, %parallel_loop3A_118], %parallel_loop3A_121 {strides = array<i32>} : memref<128x128xf32, #tpu.memory_space<vmem>>, vector<1x16xf32>,
      %parallel_loop3A_122 = arith.index_cast %parallel_loop3A_101 : i32 to index
      %parallel_loop3A_123 = arith.constant 32 : index
      %parallel_loop3A_124 = tpu.vector_load %arg11[%parallel_loop3A_122, %parallel_loop3A_123] {strides = array<i32>} : memref<128x128xf32, #tpu.memory_space<vmem>>, vector<1x16xf32>,
      %parallel_loop3A_125 = vector.shape_cast %parallel_loop3A_124 : vector<1x16xf32> to vector<16xf32>
      %parallel_loop3A_126 = arith.addf %parallel_loop3A_125, %get3A_22 : vector<16xf32>
      %parallel_loop3A_127 = arith.index_cast %parallel_loop3A_101 : i32 to index
      %parallel_loop3A_128 = arith.constant 32 : index
      %parallel_loop3A_129 = tpu.vector_load %arg11[%parallel_loop3A_127, %parallel_loop3A_128] {strides = array<i32>} : memref<128x128xf32, #tpu.memory_space<vmem>>, vector<1x16xf32>,
      %parallel_loop3A_130 = vector.shape_cast %parallel_loop3A_129 : vector<1x16xf32> to vector<16xf32>
      %parallel_loop3A_131 = vector.shape_cast %parallel_loop3A_126 : vector<16xf32> to vector<1x16xf32>
      tpu.vector_store %arg11[%parallel_loop3A_127, %parallel_loop3A_128], %parallel_loop3A_131 {strides = array<i32>} : memref<128x128xf32, #tpu.memory_space<vmem>>, vector<1x16xf32>,
      %parallel_loop3A_132 = arith.index_cast %parallel_loop3A_101 : i32 to index
      %parallel_loop3A_133 = arith.constant 48 : index
      %parallel_loop3A_134 = tpu.vector_load %arg11[%parallel_loop3A_132, %parallel_loop3A_133] {strides = array<i32>} : memref<128x128xf32, #tpu.memory_space<vmem>>, vector<1x16xf32>,
      %parallel_loop3A_135 = vector.shape_cast %parallel_loop3A_134 : vector<1x16xf32> to vector<16xf32>
      %parallel_loop3A_136 = arith.addf %parallel_loop3A_135, %get3A_25 : vector<16xf32>
      %parallel_loop3A_137 = arith.index_cast %parallel_loop3A_101 : i32 to index
      %parallel_loop3A_138 = arith.constant 48 : index
      %parallel_loop3A_139 = tpu.vector_load %arg11[%parallel_loop3A_137, %parallel_loop3A_138] {strides = array<i32>} : memref<128x128xf32, #tpu.memory_space<vmem>>, vector<1x16xf32>,
      %parallel_loop3A_140 = vector.shape_cast %parallel_loop3A_139 : vector<1x16xf32> to vector<16xf32>
      %parallel_loop3A_141 = vector.shape_cast %parallel_loop3A_136 : vector<16xf32> to vector<1x16xf32>
      tpu.vector_store %arg11[%parallel_loop3A_137, %parallel_loop3A_138], %parallel_loop3A_141 {strides = array<i32>} : memref<128x128xf32, #tpu.memory_space<vmem>>, vector<1x16xf32>,
      %parallel_loop3A_142 = arith.index_cast %parallel_loop3A_101 : i32 to index
      %parallel_loop3A_143 = arith.constant 64 : index
      %parallel_loop3A_144 = tpu.vector_load %arg11[%parallel_loop3A_142, %parallel_loop3A_143] {strides = array<i32>} : memref<128x128xf32, #tpu.memory_space<vmem>>, vector<1x16xf32>,
      %parallel_loop3A_145 = vector.shape_cast %parallel_loop3A_144 : vector<1x16xf32> to vector<16xf32>
      %parallel_loop3A_146 = arith.addf %parallel_loop3A_145, %get3A_28 : vector<16xf32>
      %parallel_loop3A_147 = arith.index_cast %parallel_loop3A_101 : i32 to index
      %parallel_loop3A_148 = arith.constant 64 : index
      %parallel_loop3A_149 = tpu.vector_load %arg11[%parallel_loop3A_147, %parallel_loop3A_148] {strides = array<i32>} : memref<128x128xf32, #tpu.memory_space<vmem>>, vector<1x16xf32>,
      %parallel_loop3A_150 = vector.shape_cast %parallel_loop3A_149 : vector<1x16xf32> to vector<16xf32>
      %parallel_loop3A_151 = vector.shape_cast %parallel_loop3A_146 : vector<16xf32> to vector<1x16xf32>
      tpu.vector_store %arg11[%parallel_loop3A_147, %parallel_loop3A_148], %parallel_loop3A_151 {strides = array<i32>} : memref<128x128xf32, #tpu.memory_space<vmem>>, vector<1x16xf32>,
      %parallel_loop3A_152 = arith.index_cast %parallel_loop3A_101 : i32 to index
      %parallel_loop3A_153 = arith.constant 80 : index
      %parallel_loop3A_154 = tpu.vector_load %arg11[%parallel_loop3A_152, %parallel_loop3A_153] {strides = array<i32>} : memref<128x128xf32, #tpu.memory_space<vmem>>, vector<1x16xf32>,
      %parallel_loop3A_155 = vector.shape_cast %parallel_loop3A_154 : vector<1x16xf32> to vector<16xf32>
      %parallel_loop3A_156 = arith.addf %parallel_loop3A_155, %get3A_31 : vector<16xf32>
      %parallel_loop3A_157 = arith.index_cast %parallel_loop3A_101 : i32 to index
      %parallel_loop3A_158 = arith.constant 80 : index
      %parallel_loop3A_159 = tpu.vector_load %arg11[%parallel_loop3A_157, %parallel_loop3A_158] {strides = array<i32>} : memref<128x128xf32, #tpu.memory_space<vmem>>, vector<1x16xf32>,
      %parallel_loop3A_160 = vector.shape_cast %parallel_loop3A_159 : vector<1x16xf32> to vector<16xf32>
      %parallel_loop3A_161 = vector.shape_cast %parallel_loop3A_156 : vector<16xf32> to vector<1x16xf32>
      tpu.vector_store %arg11[%parallel_loop3A_157, %parallel_loop3A_158], %parallel_loop3A_161 {strides = array<i32>} : memref<128x128xf32, #tpu.memory_space<vmem>>, vector<1x16xf32>,
      %parallel_loop3A_162 = arith.index_cast %parallel_loop3A_101 : i32 to index
      %parallel_loop3A_163 = arith.constant 96 : index
      %parallel_loop3A_164 = tpu.vector_load %arg11[%parallel_loop3A_162, %parallel_loop3A_163] {strides = array<i32>} : memref<128x128xf32, #tpu.memory_space<vmem>>, vector<1x16xf32>,
      %parallel_loop3A_165 = vector.shape_cast %parallel_loop3A_164 : vector<1x16xf32> to vector<16xf32>
      %parallel_loop3A_166 = arith.addf %parallel_loop3A_165, %get3A_34 : vector<16xf32>
      %parallel_loop3A_167 = arith.index_cast %parallel_loop3A_101 : i32 to index
      %parallel_loop3A_168 = arith.constant 96 : index
      %parallel_loop3A_169 = tpu.vector_load %arg11[%parallel_loop3A_167, %parallel_loop3A_168] {strides = array<i32>} : memref<128x128xf32, #tpu.memory_space<vmem>>, vector<1x16xf32>,
      %parallel_loop3A_170 = vector.shape_cast %parallel_loop3A_169 : vector<1x16xf32> to vector<16xf32>
      %parallel_loop3A_171 = vector.shape_cast %parallel_loop3A_166 : vector<16xf32> to vector<1x16xf32>
      tpu.vector_store %arg11[%parallel_loop3A_167, %parallel_loop3A_168], %parallel_loop3A_171 {strides = array<i32>} : memref<128x128xf32, #tpu.memory_space<vmem>>, vector<1x16xf32>,
      %parallel_loop3A_172 = arith.index_cast %parallel_loop3A_101 : i32 to index
      %parallel_loop3A_173 = arith.constant 112 : index
      %parallel_loop3A_174 = tpu.vector_load %arg11[%parallel_loop3A_172, %parallel_loop3A_173] {strides = array<i32>} : memref<128x128xf32, #tpu.memory_space<vmem>>, vector<1x16xf32>,
      %parallel_loop3A_175 = vector.shape_cast %parallel_loop3A_174 : vector<1x16xf32> to vector<16xf32>
      %parallel_loop3A_176 = arith.addf %parallel_loop3A_175, %get3A_37 : vector<16xf32>
      %parallel_loop3A_177 = arith.index_cast %parallel_loop3A_101 : i32 to index
      %parallel_loop3A_178 = arith.constant 112 : index
      %parallel_loop3A_179 = tpu.vector_load %arg11[%parallel_loop3A_177, %parallel_loop3A_178] {strides = array<i32>} : memref<128x128xf32, #tpu.memory_space<vmem>>, vector<1x16xf32>,
      %parallel_loop3A_180 = vector.shape_cast %parallel_loop3A_179 : vector<1x16xf32> to vector<16xf32>
      %parallel_loop3A_181 = vector.shape_cast %parallel_loop3A_176 : vector<16xf32> to vector<1x16xf32>
      tpu.vector_store %arg11[%parallel_loop3A_177, %parallel_loop3A_178], %parallel_loop3A_181 {strides = array<i32>} : memref<128x128xf32, #tpu.memory_space<vmem>>, vector<1x16xf32>,
    } {sc.loop_unroll_factor = 1 : i64, sc.parallel_access}
    %dma_start3A_67 = arith.constant 0 : i32
    %dma_start3A_68 = arith.constant 0 : i32
    %dma_start3A_69 = tpu.memref_slice %arg8[%mul3A_2, %dma_start3A_67, %dma_start3A_68] : memref<4096x2x128xf32, #tpu.memory_space<hbm>> -> memref<128x1x128xf32, #tpu.memory_space<hbm>>
    %dma_start3A_70 = tpu.memref_squeeze %dma_start3A_69 : memref<128x1x128xf32, #tpu.memory_space<hbm>> -> memref<128x128xf32, #tpu.memory_space<hbm>>
    %dma_start3A_71 = arith.constant 0 : i32
    %dma_start3A_72 = tpu.memref_slice %arg8[%mul3A_2, %dma_start3A_67, %dma_start3A_71] : memref<4096x2x128xf32, #tpu.memory_space<hbm>> -> memref<128x1x128xf32, #tpu.memory_space<hbm>>
    %dma_start3A_73 = tpu.memref_squeeze %dma_start3A_72 : memref<128x1x128xf32, #tpu.memory_space<hbm>> -> memref<128x128xf32, #tpu.memory_space<hbm>>
    tpu.enqueue_dma source(%arg11 : memref<128x128xf32, #tpu.memory_space<vmem>>) target(%dma_start3A_73 : memref<128x128xf32, #tpu.memory_space<hbm>>) target_semaphore(%arg20 : memref<!tpu.dma_semaphore, #tpu.memory_space<semaphore_mem>>)
    %dma_wait3A_74 = arith.constant 0 : i32
    %dma_wait3A_75 = arith.constant 0 : i32
    %dma_wait3A_76 = tpu.memref_slice %arg5[%dma_wait3A_74, %dma_wait3A_75] : memref<1000x128xf32, #tpu.memory_space<hbm>> -> memref<1000x128xf32, #tpu.memory_space<hbm>>
    tpu.wait_indirect_dma semaphore(%arg19 : memref<!tpu.dma_semaphore, #tpu.memory_space<semaphore_mem>>) src(%dma_wait3A_76 : memref<1000x128xf32, #tpu.memory_space<hbm>>) dst(%arg12 : memref<128x128xf32, #tpu.memory_space<vmem>>)
    %parallel_loop3A_77 = arith.constant 0 : i32
    %parallel_loop3A_78 = arith.constant 128 : i32
    %parallel_loop3A_79 = arith.constant 1 : i32
    scf.for %parallel_loop3A_101 = %parallel_loop3A_77 to %parallel_loop3A_78 step %parallel_loop3A_79  : i32 {
      %parallel_loop3A_102 = arith.index_cast %parallel_loop3A_101 : i32 to index
      %parallel_loop3A_103 = arith.constant 0 : index
      %parallel_loop3A_104 = tpu.vector_load %arg12[%parallel_loop3A_102, %parallel_loop3A_103] {strides = array<i32>} : memref<128x128xf32, #tpu.memory_space<vmem>>, vector<1x16xf32>,
      %parallel_loop3A_105 = vector.shape_cast %parallel_loop3A_104 : vector<1x16xf32> to vector<16xf32>
      %parallel_loop3A_106 = arith.addf %parallel_loop3A_105, %get3A_40 : vector<16xf32>
      %parallel_loop3A_107 = arith.index_cast %parallel_loop3A_101 : i32 to index
      %parallel_loop3A_108 = arith.constant 0 : index
      %parallel_loop3A_109 = tpu.vector_load %arg12[%parallel_loop3A_107, %parallel_loop3A_108] {strides = array<i32>} : memref<128x128xf32, #tpu.memory_space<vmem>>, vector<1x16xf32>,
      %parallel_loop3A_110 = vector.shape_cast %parallel_loop3A_109 : vector<1x16xf32> to vector<16xf32>
      %parallel_loop3A_111 = vector.shape_cast %parallel_loop3A_106 : vector<16xf32> to vector<1x16xf32>
      tpu.vector_store %arg12[%parallel_loop3A_107, %parallel_loop3A_108], %parallel_loop3A_111 {strides = array<i32>} : memref<128x128xf32, #tpu.memory_space<vmem>>, vector<1x16xf32>,
      %parallel_loop3A_112 = arith.index_cast %parallel_loop3A_101 : i32 to index
      %parallel_loop3A_113 = arith.constant 16 : index
      %parallel_loop3A_114 = tpu.vector_load %arg12[%parallel_loop3A_112, %parallel_loop3A_113] {strides = array<i32>} : memref<128x128xf32, #tpu.memory_space<vmem>>, vector<1x16xf32>,
      %parallel_loop3A_115 = vector.shape_cast %parallel_loop3A_114 : vector<1x16xf32> to vector<16xf32>
      %parallel_loop3A_116 = arith.addf %parallel_loop3A_115, %get3A_43 : vector<16xf32>
      %parallel_loop3A_117 = arith.index_cast %parallel_loop3A_101 : i32 to index
      %parallel_loop3A_118 = arith.constant 16 : index
      %parallel_loop3A_119 = tpu.vector_load %arg12[%parallel_loop3A_117, %parallel_loop3A_118] {strides = array<i32>} : memref<128x128xf32, #tpu.memory_space<vmem>>, vector<1x16xf32>,
      %parallel_loop3A_120 = vector.shape_cast %parallel_loop3A_119 : vector<1x16xf32> to vector<16xf32>
      %parallel_loop3A_121 = vector.shape_cast %parallel_loop3A_116 : vector<16xf32> to vector<1x16xf32>
      tpu.vector_store %arg12[%parallel_loop3A_117, %parallel_loop3A_118], %parallel_loop3A_121 {strides = array<i32>} : memref<128x128xf32, #tpu.memory_space<vmem>>, vector<1x16xf32>,
      %parallel_loop3A_122 = arith.index_cast %parallel_loop3A_101 : i32 to index
      %parallel_loop3A_123 = arith.constant 32 : index
      %parallel_loop3A_124 = tpu.vector_load %arg12[%parallel_loop3A_122, %parallel_loop3A_123] {strides = array<i32>} : memref<128x128xf32, #tpu.memory_space<vmem>>, vector<1x16xf32>,
      %parallel_loop3A_125 = vector.shape_cast %parallel_loop3A_124 : vector<1x16xf32> to vector<16xf32>
      %parallel_loop3A_126 = arith.addf %parallel_loop3A_125, %get3A_46 : vector<16xf32>
      %parallel_loop3A_127 = arith.index_cast %parallel_loop3A_101 : i32 to index
      %parallel_loop3A_128 = arith.constant 32 : index
      %parallel_loop3A_129 = tpu.vector_load %arg12[%parallel_loop3A_127, %parallel_loop3A_128] {strides = array<i32>} : memref<128x128xf32, #tpu.memory_space<vmem>>, vector<1x16xf32>,
      %parallel_loop3A_130 = vector.shape_cast %parallel_loop3A_129 : vector<1x16xf32> to vector<16xf32>
      %parallel_loop3A_131 = vector.shape_cast %parallel_loop3A_126 : vector<16xf32> to vector<1x16xf32>
      tpu.vector_store %arg12[%parallel_loop3A_127, %parallel_loop3A_128], %parallel_loop3A_131 {strides = array<i32>} : memref<128x128xf32, #tpu.memory_space<vmem>>, vector<1x16xf32>,
      %parallel_loop3A_132 = arith.index_cast %parallel_loop3A_101 : i32 to index
      %parallel_loop3A_133 = arith.constant 48 : index
      %parallel_loop3A_134 = tpu.vector_load %arg12[%parallel_loop3A_132, %parallel_loop3A_133] {strides = array<i32>} : memref<128x128xf32, #tpu.memory_space<vmem>>, vector<1x16xf32>,
      %parallel_loop3A_135 = vector.shape_cast %parallel_loop3A_134 : vector<1x16xf32> to vector<16xf32>
      %parallel_loop3A_136 = arith.addf %parallel_loop3A_135, %get3A_49 : vector<16xf32>
      %parallel_loop3A_137 = arith.index_cast %parallel_loop3A_101 : i32 to index
      %parallel_loop3A_138 = arith.constant 48 : index
      %parallel_loop3A_139 = tpu.vector_load %arg12[%parallel_loop3A_137, %parallel_loop3A_138] {strides = array<i32>} : memref<128x128xf32, #tpu.memory_space<vmem>>, vector<1x16xf32>,
      %parallel_loop3A_140 = vector.shape_cast %parallel_loop3A_139 : vector<1x16xf32> to vector<16xf32>
      %parallel_loop3A_141 = vector.shape_cast %parallel_loop3A_136 : vector<16xf32> to vector<1x16xf32>
      tpu.vector_store %arg12[%parallel_loop3A_137, %parallel_loop3A_138], %parallel_loop3A_141 {strides = array<i32>} : memref<128x128xf32, #tpu.memory_space<vmem>>, vector<1x16xf32>,
      %parallel_loop3A_142 = arith.index_cast %parallel_loop3A_101 : i32 to index
      %parallel_loop3A_143 = arith.constant 64 : index
      %parallel_loop3A_144 = tpu.vector_load %arg12[%parallel_loop3A_142, %parallel_loop3A_143] {strides = array<i32>} : memref<128x128xf32, #tpu.memory_space<vmem>>, vector<1x16xf32>,
      %parallel_loop3A_145 = vector.shape_cast %parallel_loop3A_144 : vector<1x16xf32> to vector<16xf32>
      %parallel_loop3A_146 = arith.addf %parallel_loop3A_145, %get3A_52 : vector<16xf32>
      %parallel_loop3A_147 = arith.index_cast %parallel_loop3A_101 : i32 to index
      %parallel_loop3A_148 = arith.constant 64 : index
      %parallel_loop3A_149 = tpu.vector_load %arg12[%parallel_loop3A_147, %parallel_loop3A_148] {strides = array<i32>} : memref<128x128xf32, #tpu.memory_space<vmem>>, vector<1x16xf32>,
      %parallel_loop3A_150 = vector.shape_cast %parallel_loop3A_149 : vector<1x16xf32> to vector<16xf32>
      %parallel_loop3A_151 = vector.shape_cast %parallel_loop3A_146 : vector<16xf32> to vector<1x16xf32>
      tpu.vector_store %arg12[%parallel_loop3A_147, %parallel_loop3A_148], %parallel_loop3A_151 {strides = array<i32>} : memref<128x128xf32, #tpu.memory_space<vmem>>, vector<1x16xf32>,
      %parallel_loop3A_152 = arith.index_cast %parallel_loop3A_101 : i32 to index
      %parallel_loop3A_153 = arith.constant 80 : index
      %parallel_loop3A_154 = tpu.vector_load %arg12[%parallel_loop3A_152, %parallel_loop3A_153] {strides = array<i32>} : memref<128x128xf32, #tpu.memory_space<vmem>>, vector<1x16xf32>,
      %parallel_loop3A_155 = vector.shape_cast %parallel_loop3A_154 : vector<1x16xf32> to vector<16xf32>
      %parallel_loop3A_156 = arith.addf %parallel_loop3A_155, %get3A_55 : vector<16xf32>
      %parallel_loop3A_157 = arith.index_cast %parallel_loop3A_101 : i32 to index
      %parallel_loop3A_158 = arith.constant 80 : index
      %parallel_loop3A_159 = tpu.vector_load %arg12[%parallel_loop3A_157, %parallel_loop3A_158] {strides = array<i32>} : memref<128x128xf32, #tpu.memory_space<vmem>>, vector<1x16xf32>,
      %parallel_loop3A_160 = vector.shape_cast %parallel_loop3A_159 : vector<1x16xf32> to vector<16xf32>
      %parallel_loop3A_161 = vector.shape_cast %parallel_loop3A_156 : vector<16xf32> to vector<1x16xf32>
      tpu.vector_store %arg12[%parallel_loop3A_157, %parallel_loop3A_158], %parallel_loop3A_161 {strides = array<i32>} : memref<128x128xf32, #tpu.memory_space<vmem>>, vector<1x16xf32>,
      %parallel_loop3A_162 = arith.index_cast %parallel_loop3A_101 : i32 to index
      %parallel_loop3A_163 = arith.constant 96 : index
      %parallel_loop3A_164 = tpu.vector_load %arg12[%parallel_loop3A_162, %parallel_loop3A_163] {strides = array<i32>} : memref<128x128xf32, #tpu.memory_space<vmem>>, vector<1x16xf32>,
      %parallel_loop3A_165 = vector.shape_cast %parallel_loop3A_164 : vector<1x16xf32> to vector<16xf32>
      %parallel_loop3A_166 = arith.addf %parallel_loop3A_165, %get3A_58 : vector<16xf32>
      %parallel_loop3A_167 = arith.index_cast %parallel_loop3A_101 : i32 to index
      %parallel_loop3A_168 = arith.constant 96 : index
      %parallel_loop3A_169 = tpu.vector_load %arg12[%parallel_loop3A_167, %parallel_loop3A_168] {strides = array<i32>} : memref<128x128xf32, #tpu.memory_space<vmem>>, vector<1x16xf32>,
      %parallel_loop3A_170 = vector.shape_cast %parallel_loop3A_169 : vector<1x16xf32> to vector<16xf32>
      %parallel_loop3A_171 = vector.shape_cast %parallel_loop3A_166 : vector<16xf32> to vector<1x16xf32>
      tpu.vector_store %arg12[%parallel_loop3A_167, %parallel_loop3A_168], %parallel_loop3A_171 {strides = array<i32>} : memref<128x128xf32, #tpu.memory_space<vmem>>, vector<1x16xf32>,
      %parallel_loop3A_172 = arith.index_cast %parallel_loop3A_101 : i32 to index
      %parallel_loop3A_173 = arith.constant 112 : index
      %parallel_loop3A_174 = tpu.vector_load %arg12[%parallel_loop3A_172, %parallel_loop3A_173] {strides = array<i32>} : memref<128x128xf32, #tpu.memory_space<vmem>>, vector<1x16xf32>,
      %parallel_loop3A_175 = vector.shape_cast %parallel_loop3A_174 : vector<1x16xf32> to vector<16xf32>
      %parallel_loop3A_176 = arith.addf %parallel_loop3A_175, %get3A_61 : vector<16xf32>
      %parallel_loop3A_177 = arith.index_cast %parallel_loop3A_101 : i32 to index
      %parallel_loop3A_178 = arith.constant 112 : index
      %parallel_loop3A_179 = tpu.vector_load %arg12[%parallel_loop3A_177, %parallel_loop3A_178] {strides = array<i32>} : memref<128x128xf32, #tpu.memory_space<vmem>>, vector<1x16xf32>,
      %parallel_loop3A_180 = vector.shape_cast %parallel_loop3A_179 : vector<1x16xf32> to vector<16xf32>
      %parallel_loop3A_181 = vector.shape_cast %parallel_loop3A_176 : vector<16xf32> to vector<1x16xf32>
      tpu.vector_store %arg12[%parallel_loop3A_177, %parallel_loop3A_178], %parallel_loop3A_181 {strides = array<i32>} : memref<128x128xf32, #tpu.memory_space<vmem>>, vector<1x16xf32>,
    } {sc.loop_unroll_factor = 1 : i64, sc.parallel_access}
    %dma_start3A_80 = arith.constant 1 : i32
    %dma_start3A_81 = arith.constant 0 : i32
    %dma_start3A_82 = tpu.memref_slice %arg8[%mul3A_2, %dma_start3A_80, %dma_start3A_81] : memref<4096x2x128xf32, #tpu.memory_space<hbm>> -> memref<128x1x128xf32, #tpu.memory_space<hbm>>
    %dma_start3A_83 = tpu.memref_squeeze %dma_start3A_82 : memref<128x1x128xf32, #tpu.memory_space<hbm>> -> memref<128x128xf32, #tpu.memory_space<hbm>>
    %dma_start3A_84 = arith.constant 0 : i32
    %dma_start3A_85 = tpu.memref_slice %arg8[%mul3A_2, %dma_start3A_80, %dma_start3A_84] : memref<4096x2x128xf32, #tpu.memory_space<hbm>> -> memref<128x1x128xf32, #tpu.memory_space<hbm>>
    %dma_start3A_86 = tpu.memref_squeeze %dma_start3A_85 : memref<128x1x128xf32, #tpu.memory_space<hbm>> -> memref<128x128xf32, #tpu.memory_space<hbm>>
    tpu.enqueue_dma source(%arg12 : memref<128x128xf32, #tpu.memory_space<vmem>>) target(%dma_start3A_86 : memref<128x128xf32, #tpu.memory_space<hbm>>) target_semaphore(%arg20 : memref<!tpu.dma_semaphore, #tpu.memory_space<semaphore_mem>>)
    %dma_wait3A_87 = arith.constant 0 : i32
    %dma_wait3A_88 = arith.constant 0 : i32
    %dma_wait3A_89 = tpu.memref_slice %arg8[%mul3A_2, %dma_wait3A_87, %dma_wait3A_88] : memref<4096x2x128xf32, #tpu.memory_space<hbm>> -> memref<128x1x128xf32, #tpu.memory_space<hbm>>
    %dma_wait3A_90 = tpu.memref_squeeze %dma_wait3A_89 : memref<128x1x128xf32, #tpu.memory_space<hbm>> -> memref<128x128xf32, #tpu.memory_space<hbm>>
    %dma_wait3A_91 = arith.constant 0 : i32
    %dma_wait3A_92 = tpu.memref_slice %arg8[%mul3A_2, %dma_wait3A_87, %dma_wait3A_91] : memref<4096x2x128xf32, #tpu.memory_space<hbm>> -> memref<128x1x128xf32, #tpu.memory_space<hbm>>
    %dma_wait3A_93 = tpu.memref_squeeze %dma_wait3A_92 : memref<128x1x128xf32, #tpu.memory_space<hbm>> -> memref<128x128xf32, #tpu.memory_space<hbm>>
    tpu.wait_dma2 semaphore(%arg20 : memref<!tpu.dma_semaphore, #tpu.memory_space<semaphore_mem>>) src(%arg11 : memref<128x128xf32, #tpu.memory_space<vmem>>) dst(%dma_wait3A_93 : memref<128x128xf32, #tpu.memory_space<hbm>>)
    %dma_wait3A_94 = arith.constant 1 : i32
    %dma_wait3A_95 = arith.constant 0 : i32
    %dma_wait3A_96 = tpu.memref_slice %arg8[%mul3A_2, %dma_wait3A_94, %dma_wait3A_95] : memref<4096x2x128xf32, #tpu.memory_space<hbm>> -> memref<128x1x128xf32, #tpu.memory_space<hbm>>
    %dma_wait3A_97 = tpu.memref_squeeze %dma_wait3A_96 : memref<128x1x128xf32, #tpu.memory_space<hbm>> -> memref<128x128xf32, #tpu.memory_space<hbm>>
    %dma_wait3A_98 = arith.constant 0 : i32
    %dma_wait3A_99 = tpu.memref_slice %arg8[%mul3A_2, %dma_wait3A_94, %dma_wait3A_98] : memref<4096x2x128xf32, #tpu.memory_space<hbm>> -> memref<128x1x128xf32, #tpu.memory_space<hbm>>
    %dma_wait3A_100 = tpu.memref_squeeze %dma_wait3A_99 : memref<128x1x128xf32, #tpu.memory_space<hbm>> -> memref<128x128xf32, #tpu.memory_space<hbm>>
    tpu.wait_dma2 semaphore(%arg20 : memref<!tpu.dma_semaphore, #tpu.memory_space<semaphore_mem>>) src(%arg12 : memref<128x128xf32, #tpu.memory_space<vmem>>) dst(%dma_wait3A_100 : memref<128x128xf32, #tpu.memory_space<hbm>>)
    return
  }
}

</mosaic_0001>

<sc_bundles>
// kernel: kernel.3.cloned.1.call-start
scs
__scs_entry_jumppad:
0x0: {  	(pc) =	sbr.rel $0x88, $3  }
0x1: {  	(tag) =	ssettag $0x0;
	lr =	simm.s32 $0x1  }
0x2: {  	[smem:$0x3F9B] =	sst lr;
	_ =	strace $0xD0000000  }
0x3: {  	_ = 	snop  }
0x4: {  	_ = 	snop  }
0x5: {  	_ = 	snop  }
0x6: {  	_ = 	snop  }
0x7: {  	_ = 	snop  }
__scs_overlays_trampoline_lowered:
0x8: {  	[smem:$0x3FAA] =	sst s0  }
0x9: {  	[smem:$0x3FAB] =	sst s1  }
0xa: {  	[smem:$0x3FAC] =	sst s2  }
0xb: {  	[smem:$0x3FAD] =	sst s3  }
0xc: {  	[smem:$0x3FAE] =	sst s4  }
0xd: {  	[smem:$0x3FAF] =	sst s5  }
0xe: {  	[smem:$0x3FB0] =	sst s6  }
0xf: {  	[smem:$0x3FB1] =	sst s7  }
0x10: {  	[smem:$0x3FB2] =	sst s8  }
0x11: {  	[smem:$0x3FB3] =	sst s9;
	s0 =	simm.s32 @!p0 $0x0  }
0x12: {  	s1 =	sld [smem:$0x3F99];
	s0 =	simm.s32 @p0 $0x1  }
0x13: {  	[smem:$0x3FB4] =	sst s0;
	s0 =	simm.s32 @!p1 $0x0  }
0x14: {  	s2 =	sld [smem:$0x3F98];
	s0 =	simm.s32 @p1 $0x1  }
0x15: {  	[smem:$0x3FB5] =	sst s0;
	s0 =	simm.s32 @!p2 $0x0  }
0x16: {  	s3 =	sld [smem:$0x3FDB];
	s0 =	simm.s32 @p2 $0x1  }
0x17: {  	s4 =	simm.s32 $0x1BF5;
	[smem:$0x3FB7] =	sst s0  }
0x18: {  	s0 =	sld [smem:$0x3F9A];
	_ =	swait.ge [sflag:s4], $0x0  }
0x19: {  	s7 =	sld [smem:$0x3F9B]  }
0x1a: {  	s8 =	sadd.s32 $0xFFFFE003, lr  }
0x1b: {  	s9 =	sadd.s32 $0xFFFFFEF7, lr;
	s5 =	simm.s32 $0xFFFFFFFF;
	p2 =	slt.u32 s8, $0xFFFFF086  }
0x1c: {  	p1 =	slt.u32 s9, $0xF7A;
	s5 =	simm.s32 @!p2 $0x0  }
0x1d: {  	s5 =	simm.s32 @p1 $0x1;
	p0 =	seq.s32 s7, s2  }
0x1e: {  	s7 =	smul.u32 @!p0 $0xF7A, s2;
	p2 =	seq.s32 @!p0 s5, $0x0  }
0x1f: {  	s9 =	smul.u32 $0xF7A, s1;
	s8 =	simm.s32 @!p0 $0x1BF5;
	p2 =	por !p2, p0  }
0x20: {  	[sflag:s8] =	ssyncset.s32 @!p0 $0xFFFFF086;
	s6 =	sadd.s32 @!p0 s3, s7;
	s7 =	simm.s32 @!p0 $0x108  }
0x21: {  	s3 =	sadd.s32 s3, s9;
	s6 =	sadd.s32 @!p0 $0x88, s6;
	s7 =	simm.s32 @p2 $0x1082  }
0x22: {  	[simem:s7], [sflag:s8] =	dma.local @!p0 [hbm:s6], $0xF7A  }
0x23: {  	s9 =	sor.u32 $0xD0000000, s2;
	s6 =	simm.s32 $0x108;
	_ =	swait.ge @!p0 [sflag:s8], $0x0  }
0x24: {  	s3 =	sadd.s32 $0x88, s3;
	s6 =	simm.s32 @!p1 $0x1082;
	[sflag:s4] =	ssyncset.s32 $0xFFFFF086  }
0x25: {  	[simem:s6], [sflag:s4] =	dma.local [hbm:s3], $0xF7A  }
0x26: {  	[smem:$0x3F9B] =	sst s1;
	(tag) =	ssettag s2;
	_ =	strace s9  }
0x27: {  	s1 =	sld [smem:$0x3FAB]  }
0x28: {  	s2 =	sld [smem:$0x3FAC]  }
0x29: {  	s4 =	sld [smem:$0x3FAE]  }
0x2a: {  	p0 =	seq.s32 s5, $0x0;
	s5 =	sld [smem:$0x3FAF]  }
0x2b: {  	s6 =	sld [smem:$0x3FB0]  }
0x2c: {  	s7 =	sld [smem:$0x3FB1]  }
0x2d: {  	s3 =	simm.s32 $0x108;
	s8 =	sld [smem:$0x3FB2]  }
0x2e: {  	s3 =	simm.s32 @!p0 $0x1082;
	s9 =	sld [smem:$0x3FB3]  }
0x2f: {  	lr =	sadd.s32 s0, s3;
	s0 =	sld [smem:$0x3FAA]  }
0x30: {  	s3 =	sld [smem:$0x3FAD]  }
0x31: {  	[smem:$0x3FB6] =	sst s10  }
0x32: {  	s10 =	sld [smem:$0x3FB4];
	_ =	sdelay $0x3  }
0x33: {  	p0 =	seq.s32 s10, $0x1;
	s10 =	sld [smem:$0x3FB6];
	_ =	sdelay $0x3  }
0x34: {  	[smem:$0x3FB6] =	sst s10  }
0x35: {  	s10 =	sld [smem:$0x3FB5];
	_ =	sdelay $0x3  }
0x36: {  	p1 =	seq.s32 s10, $0x1;
	s10 =	sld [smem:$0x3FB6];
	_ =	sdelay $0x3  }
0x37: {  	[smem:$0x3FB6] =	sst s10  }
0x38: {  	s10 =	sld [smem:$0x3FB7]  }
0x39: {  	_ = 	snop;
	(pc) =	sbr.ind lr, $3  }
0x3a: {  	_ = 	snop  }
0x3b: {  	_ = 	snop  }
0x3c: {  	p2 =	seq.s32 s10, $0x1;
	s10 =	sld [smem:$0x3FB6]  }
0x3d: {  	_ =	shalt  }
0x3e: {  	_ =	shalt  }
0x3f: {  	_ =	shalt  }
0x40: {  	_ =	shalt  }
0x41: {  	_ =	shalt  }
0x42: {  	_ =	shalt  }
0x43: {  	_ =	shalt  }
0x44: {  	_ =	shalt  }
0x45: {  	_ =	shalt  }
0x46: {  	_ =	shalt  }
0x47: {  	_ =	shalt  }
0x48: {  	_ =	shalt  }
0x49: {  	_ =	shalt  }
0x4a: {  	_ =	shalt  }
0x4b: {  	_ =	shalt  }
0x4c: {  	_ =	shalt  }
0x4d: {  	_ =	shalt  }
0x4e: {  	_ =	shalt  }
0x4f: {  	_ =	shalt  }
0x50: {  	_ =	shalt  }
0x51: {  	_ =	shalt  }
0x52: {  	_ =	shalt  }
0x53: {  	_ =	shalt  }
0x54: {  	_ =	shalt  }
0x55: {  	_ =	shalt  }
0x56: {  	_ =	shalt  }
0x57: {  	_ =	shalt  }
0x58: {  	_ =	shalt  }
0x59: {  	_ =	shalt  }
0x5a: {  	_ =	shalt  }
0x5b: {  	_ =	shalt  }
0x5c: {  	_ =	shalt  }
0x5d: {  	_ =	shalt  }
0x5e: {  	_ =	shalt  }
0x5f: {  	_ =	shalt  }
0x60: {  	_ =	shalt  }
0x61: {  	_ =	shalt  }
0x62: {  	_ =	shalt  }
0x63: {  	_ =	shalt  }
0x64: {  	_ =	shalt  }
0x65: {  	_ =	shalt  }
0x66: {  	_ =	shalt  }
0x67: {  	_ =	shalt  }
0x68: {  	_ =	shalt  }
0x69: {  	_ =	shalt  }
0x6a: {  	_ =	shalt  }
0x6b: {  	_ =	shalt  }
0x6c: {  	_ =	shalt  }
0x6d: {  	_ =	shalt  }
0x6e: {  	_ =	shalt  }
0x6f: {  	_ =	shalt  }
0x70: {  	_ =	shalt  }
0x71: {  	_ =	shalt  }
0x72: {  	_ =	shalt  }
0x73: {  	_ =	shalt  }
0x74: {  	_ =	shalt  }
0x75: {  	_ =	shalt  }
0x76: {  	_ =	shalt  }
0x77: {  	_ =	shalt  }
0x78: {  	_ =	shalt  }
0x79: {  	_ =	shalt  }
0x7a: {  	_ =	shalt  }
0x7b: {  	_ =	shalt  }
0x7c: {  	_ =	shalt  }
0x7d: {  	_ =	shalt  }
0x7e: {  	_ =	shalt  }
0x7f: {  	_ =	shalt  }
0x80: {  	_ =	shalt  }
0x81: {  	_ =	shalt  }
0x82: {  	_ =	shalt  }
0x83: {  	_ =	shalt  }
0x84: {  	_ =	shalt  }
0x85: {  	_ =	shalt  }
0x86: {  	_ =	shalt  }
0x87: {  	_ =	shalt  }
.Lfunc_end0:
.L_simem_size_0:
called_computation_lowered:
.L_overlay_start_0:
0x88: {  	s2 =	sld [smem:$0x3FD9]  }
0x89: {  	s3 =	sld [smem:$0x3FFE];
	_ =	sdelay $0x1  }
0x8a: {  	s1 =	srdreg.scid  }
0x8b: {  	s0 =	sand.u32 $0x1, s1  }
0x8c: {  	s18 =	sshll.u32 s0, $0xA;
	s2 =	sadd.s32 s3, s2  }
0x8d: {  	s2 =	sadd.s32 s2, s18  }
0x8e: {  	[smem:$0x3FC2] =	sst s2  }
0x8f: {  	_ = 	snop  }
0x90: {  	s2 =	sld [smem:$0x3FC9]  }
0x91: {  	s19 =	sld [smem:$0x3FC8]  }
0x92: {  	s4 =	sld [smem:$0x3FC7]  }
0x93: {  	s5 =	sld [smem:$0x3FC6]  }
0x94: {  	s6 =	sld [smem:$0x3FC5]  }
0x95: {  	s7 =	sld [smem:$0x3FC4]  }
0x96: {  	s8 =	sld [smem:$0x3FD0];
	(tm) =	ssettm $0x1  }
0x97: {  	s9 =	sld [smem:$0x3FFB];
	_ =	sdelay $0x3  }
0x98: {  	_ =	strace s9  }
0x99: {  	s9 =	sld [smem:$0x3FFC];
	_ =	sdelay $0x3  }
0x9a: {  	_ =	strace s9  }
0x9b: {  	s9 =	sld [smem:$0x3FFD];
	_ =	sdelay $0x3  }
0x9c: {  	_ =	strace s9  }
0x9d: {  	_ =	strace $0x8FFFFFFF  }
0x9e: {  	s20 =	sld [smem:$0x3FDB];
	_ =	sdelay $0x1  }
0x9f: {  	s10 =	simm.s32 $_scs_section_size  }
0xa0: {  	s11 =	simm.s32 $_size__tile_overlayer_lowered;
	s12 =	simm.s32 $_tile_overlayer_lowered  }
0xa1: {  	s23 =	simm.s32 $0x1BFF;
	s22 =	sshll.u32 s12, $0x1;
	s9 =	sadd.s32 s10, s20  }
0xa2: {  	s13 =	simm.s32 $0x0;
	s21 =	sshll.u32 s11, $0x1;
	s11 =	sadd.s32 s22, s9  }
0xa3: {  	[timem:s13], [sflag:s23] =	dma.local [hbm:s11], s21  }
0xa4: {  	_ =	swait.ge [sflag:s23], s21  }
0xa5: {  	s10 =	ssub.s32 $0x0, s21;
	[sflag:s23] =	ssyncset.done $0x0  }
0xa6: {  	[sflag:s23] =	ssyncadd.s32 s10;
	_ =	sdelay $0x1  }
0xa7: {  	s24 =	simm.s32 $0x1B8B  }
0xa8: {  	_ =	swait.ge [sflag:s24], $0x1  }
0xa9: {  	[sflag:s24] =	ssyncset.done $0x0  }
0xaa: {  	s25 =	simm.s32 $0x1B8E;
	[sflag:s24] =	ssyncadd.s32 $0xFFFFFFFF  }
0xab: {  	s26 =	simm.s32 $execute0_lowered;
	[smem:$0x3FD2] =	sst s25  }
0xac: {  	s10 =	sshll.u32 s26, $0x1;
	_ =	strace $0x80000046;
	[dreg:$0x1] =	wrdreg $0xFFFFFFFF  }
0xad: {  	s28 =	simm.s32 $_size_execute0_lowered;
	s9 =	sadd.s32 s9, s10;
	[dreg:$0x0] =	wrdreg $0x0  }
0xae: {  	s10 =	sshll.u32 s28, $0x1;
	[dreg:$0x2] =	wrdreg s9  }
0xaf: {  	[dreg:$0x3] =	wrdreg s10  }
0xb0: {  	[dreg:$0x4] =	wrdreg $0xC0  }
0xb1: {  	_ =	task [dreg:s13], $0x5FFFF  }
0xb2: {  	[dreg:$0x1] =	wrdreg $0xFFFFFFFF  }
0xb3: {  	[dreg:$0x0] =	wrdreg $0x60  }
0xb4: {  	[dreg:$0x2] =	wrdreg s2  }
0xb5: {  	[dreg:$0x3] =	wrdreg s19  }
0xb6: {  	[dreg:$0x4] =	wrdreg s4  }
0xb7: {  	[dreg:$0x5] =	wrdreg s5  }
0xb8: {  	[dreg:$0x6] =	wrdreg s6  }
0xb9: {  	[dreg:$0x7] =	wrdreg s7  }
0xba: {  	[dreg:$0x8] =	wrdreg s8  }
0xbb: {  	[dreg:$0x9] =	wrdreg $0x9  }
0xbc: {  	_ =	task.clear_ibuf [dreg:s13], $0xAFFFF;
	_ =	strace $0x90000046  }
0xbd: {  	s29 =	simm.s32 $0x9;
	_ =	strace $0x80000048  }
0xbe: {  	_ =	swait.ge [sflag:s29], $0x1  }
0xbf: {  	[sflag:s29] =	ssyncadd.s32 $0xFFFFFFFF  }
0xc0: {  	_ =	strace $0x90000048  }
0xc1: {  	_ =	sfence  }
0xc2: {  	s30 =	sld [smem:$0x0];
	_ =	sdelay $0x2  }
0xc3: {  	s31 =	sshll.u32 s1, $0xD;
	s1 =	sshrl.u32 s1, $0x2  }
0xc4: {  	s3 =	sand.u32 $0x4000, s31;
	s1 =	sadd.s32 s1, s30  }
0xc5: {  	s0 =	sor.u32 s3, s0;
	s1 =	sshll.u32 s1, $0x11  }
0xc6: {  	s0 =	sor.u32 s1, s0  }
0xc7: {  	s0 =	sadd.s32 $0x8F2B, s0  }
0xc8: {  	[sflag:s0] =	ssyncadd.remote.s32 $0x1  }
0xc9: {  	_ =	sfence.sel $0xFFFF  }
0xca: {  	[dreg:$0x0] =	wrdreg $0xFFFFFFFF;
	(pc) =	sbr.abs _section_cstart, $3  }
0xcb: {  	[dreg:$0x1] =	wrdreg $0xFFFFFFFF  }
0xcc: {  	_ =	task.clear_ibuf [dreg:s13], $0x2FFFF;
	_ =	strace $0x9FFFFFFF  }
0xcd: {  	(tm) =	ssettm $0x7FFFFFFF  }
tec
execute0_lowered:
.L_overlay_start_1:
0x0: {  	(tag) =	ssettag $0x1  }
0x1: {  	s7 =	rddreg [dreg:$0x0]  }
0x2: {  	s9 =	rddreg [dreg:$0x1]  }
0x3: {  	s1 =	rddreg [dreg:$0x2]  }
0x4: {  	s2 =	rddreg [dreg:$0x3]  }
0x5: {  	s3 =	rddreg [dreg:$0x4]  }
0x6: {  	s4 =	rddreg [dreg:$0x5]  }
0x7: {  	s8 =	rddreg [dreg:$0x6]  }
0x8: {  	s0 =	rddreg [dreg:$0x7]  }
0x9: {  	s6 =	simm.s32 $0x0;
	s10 =	srdreg.scid;
	s5 =	stileid.u32  }
0xa: {  	s14 =	simm.s32 $0x8180;
	s15 =	simm.s32 $0x1;
	s16 =	simm.s32 $0x100  }
0xb: {  	s17 =	simm.s32 $0x2;
	s18 =	simm.s32 $0x4100;
	s19 =	simm.s32 $0x3  }
0xc: {  	s20 =	simm.s32 $0x4;
	s21 =	simm.s32 $0x5;
	s22 =	simm.s32 $0x6  }
0xd: {  	s23 =	simm.s32 $0x0;
	s10 =	sand.u32 $0x1, s10;
	s11 =	sshll.u32 s5, $0x1  }
0xe: {  	[smem:$0x7FF] =	sst s6;
	s12 =	ssub.s32 $0x2, s10;
	s10 =	sor.u32 s10, s11  }
0xf: {  	_ =	strace $0x80000047;
	s31 =	sshrl.u32 s12, $0x1;
	s13 =	sshll.u32 s10, $0x4  }
0x10: {  	s10 =	sshll.u32 s10, $0xC;
	s11 =	ssub.s32 s12, s31;
	s7 =	sadd.s32 s7, s13  }
0x11: {  	s8 =	sadd.s32 s8, s10;
	s9 =	sadd.s32 s9, s13;
	s12 =	simm.s32 $0x80  }
0x12: {  	s13 =	simm.s32 $0x8100;
	s10 =	sadd.s32 $0x10, s8;
	s11 =	smax.u32 s11, $0x1  }
.LBB2_1:
0x13: {  	[tilespmem:s6], [sflag:$0x1] =	stream.linear.gather [hbm4b:s7+s6], $0x80, $0x38;
	[tilespmem:$0x8200] =	vst v63  }
0x14: {  	_ = 	snop  }
0x15: {  	[tilespmem:s12], [sflag:$0x2] =	stream.linear.gather [hbm4b:s9+s6], $0x80, $0x38;
	[tilespmem:$0x8200] =	vst v63  }
0x16: {  	_ = 	snop  }
0x17: {  	[tilespmem:s13], [sflag:$0x3] =	stream.linear.gather [hbm4b:s3+s6], $0x80, $0x38;
	[tilespmem:$0x8200] =	vst v63  }
0x18: {  	_ = 	snop  }
0x19: {  	[tilespmem:s14], [sflag:$0x3] =	stream.linear.gather [hbm4b:s4+s6], $0x80, $0x38;
	[tilespmem:$0x8200] =	vst v63  }
0x1a: {  	_ =	swait.ge [sflag:s15], $0x80  }
0x1b: {  	[sflag:s15] =	ssyncset.done $0x0  }
0x1c: {  	[sflag:s15] =	ssyncadd.s32 $0xFFFFFF80  }
0x1d: {  	[tilespmem:s16], [sflag:$0x4] =	stream.indirect.gather [hbm4b:s1+s12], $0x80, s6, s12, $0xb8;
	[tilespmem:$0x8200] =	vst v63  }
0x1e: {  	_ =	swait.ge [sflag:s17], $0x80  }
0x1f: {  	[sflag:s17] =	ssyncset.done $0x0  }
0x20: {  	[sflag:s17] =	ssyncadd.s32 $0xFFFFFF80  }
0x21: {  	[tilespmem:s18], [sflag:$0x5] =	stream.indirect.gather [hbm4b:s2+s12], $0x80, s12, s12, $0xb8;
	[tilespmem:$0x8200] =	vst v63  }
0x22: {  	_ =	swait.ge [sflag:s19], $0x80  }
0x23: {  	[sflag:s19] =	ssyncset.done $0x0  }
0x24: {  	[sflag:s19] =	ssyncadd.s32 $0xFFFFFF80  }
0x25: {  	_ =	swait.ge [sflag:s19], $0x80  }
0x26: {  	[sflag:s19] =	ssyncset.done $0x0  }
0x27: {  	[sflag:s19] =	ssyncadd.s32 $0xFFFFFF80  }
0x28: {  	v14 =	vld [tilespmem:$0x8100]  }
0x29: {  	v13 =	vld [tilespmem:$0x8110]  }
0x2a: {  	v12 =	vld [tilespmem:$0x8120]  }
0x2b: {  	v11 =	vld [tilespmem:$0x8130]  }
0x2c: {  	v10 =	vld [tilespmem:$0x8140]  }
0x2d: {  	v9 =	vld [tilespmem:$0x8150]  }
0x2e: {  	v8 =	vld [tilespmem:$0x8160]  }
0x2f: {  	v15 =	vld [tilespmem:$0x8170]  }
0x30: {  	v6 =	vld [tilespmem:$0x8180]  }
0x31: {  	v5 =	vld [tilespmem:$0x8190]  }
0x32: {  	v4 =	vld [tilespmem:$0x81A0]  }
0x33: {  	v3 =	vld [tilespmem:$0x81B0]  }
0x34: {  	v2 =	vld [tilespmem:$0x81C0]  }
0x35: {  	v1 =	vld [tilespmem:$0x81D0]  }
0x36: {  	v0 =	vld [tilespmem:$0x81E0]  }
0x37: {  	v7 =	vld [tilespmem:$0x81F0];
	_ =	swait.ge [sflag:s20], $0x4000  }
0x38: {  	[sflag:s20] =	ssyncset.done $0x0  }
0x39: {  	s25 =	simm.s32 $0x0;
	[sflag:s20] =	ssyncadd.s32 $0xFFFFC000  }
0x3a: {  	v17 =	vld [tilespmem:s25+$0x170]  }
0x3b: {  	v21 =	vld [tilespmem:s25+$0x100]  }
0x3c: {  	v22 =	vld [tilespmem:s25+$0x110]  }
0x3d: {  	v20 =	vld [tilespmem:s25+$0x120]  }
0x3e: {  	v19 =	vld [tilespmem:s25+$0x130]  }
0x3f: {  	v16 =	vld [tilespmem:s25+$0x140];
	v23 =	vadd.f32 v17, v15  }
0x40: {  	v17 =	vld [tilespmem:s25+$0x150];
	v21 =	vadd.f32 v21, v14  }
0x41: {  	s24 =	simm.s32 $0x80;
	s26 =	simm.s32 $0x400;
	v18 =	vld [tilespmem:s25+$0x160];
	v22 =	vadd.f32 v22, v13;
	[tilespmem:s25+$0x170] =	vst v23  }
.LBB2_2:
0x42: {  	p0 =	sne.s32 s26, $0xFE00;
	v23 =	vld [tilespmem:s24+$0x170];
	[tilespmem:s25+$0x100] =	vst v21;
	v20 =	vadd.f32 v20, v12  }
0x43: {  	v21 =	vld [tilespmem:s24+$0x100];
	[tilespmem:s25+$0x110] =	vst v22;
	v19 =	vadd.f32 v19, v11  }
0x44: {  	v22 =	vld [tilespmem:s24+$0x110];
	[tilespmem:s25+$0x120] =	vst v20;
	v16 =	vadd.f32 v16, v10  }
.Ltmp0:
0x45: {  	v20 =	vld [tilespmem:s24+$0x120];
	[tilespmem:s25+$0x130] =	vst v19;
	v17 =	vadd.f32 v17, v9;
	(pc) =	sbr.rel @p0 .LBB2_2-.Ltmp0, $4  }
0x46: {  	v19 =	vld [tilespmem:s24+$0x130];
	[tilespmem:s25+$0x140] =	vst v16;
	v18 =	vadd.f32 v18, v8  }
0x47: {  	v16 =	vld [tilespmem:s24+$0x140];
	v23 =	vadd.f32 v23, v15;
	[tilespmem:s25+$0x150] =	vst v17  }
0x48: {  	v21 =	vadd.f32 v21, v14;
	v17 =	vld [tilespmem:s24+$0x150];
	[tilespmem:s25+$0x160] =	vst v18;
	s25 =	smov.u32 s24  }
0x49: {  	s24 =	sshra.s32 s26, $0x2;
	s26 =	sadd.s32 $0x200, s26;
	v22 =	vadd.f32 v22, v13;
	v18 =	vld [tilespmem:s25+$0x160];
	[tilespmem:s25+$0x170] =	vst v23  }
0x4a: {  	v23 =	vld [tilespmem:s24+$0x170];
	[tilespmem:s25+$0x100] =	vst v21;
	v20 =	vadd.f32 v20, v12  }
0x4b: {  	v56 =	vld [tilespmem:s24+$0x100];
	[tilespmem:s25+$0x110] =	vst v22;
	v19 =	vadd.f32 v19, v11  }
0x4c: {  	v57 =	vld [tilespmem:s24+$0x110];
	[tilespmem:s25+$0x120] =	vst v20;
	v16 =	vadd.f32 v16, v10  }
0x4d: {  	v58 =	vld [tilespmem:s24+$0x120];
	[tilespmem:s25+$0x130] =	vst v19;
	v17 =	vadd.f32 v17, v9  }
0x4e: {  	v59 =	vld [tilespmem:s24+$0x130];
	[tilespmem:s25+$0x140] =	vst v16;
	v60 =	vadd.f32 v18, v8  }
0x4f: {  	v61 =	vld [tilespmem:s24+$0x140];
	v15 =	vadd.f32 v23, v15;
	[tilespmem:s25+$0x150] =	vst v17  }
0x50: {  	v62 =	vld [tilespmem:s24+$0x150];
	v14 =	vadd.f32 v56, v14;
	[tilespmem:s25+$0x160] =	vst v60  }
0x51: {  	v63 =	vld [tilespmem:s24+$0x160];
	v13 =	vadd.f32 v57, v13;
	[tilespmem:s24+$0x170] =	vst v15  }
0x52: {  	v12 =	vadd.f32 v58, v12;
	[tilespmem:s24+$0x100] =	vst v14  }
0x53: {  	v11 =	vadd.f32 v59, v11;
	[tilespmem:s24+$0x110] =	vst v13  }
0x54: {  	v10 =	vadd.f32 v61, v10;
	[tilespmem:s24+$0x120] =	vst v12  }
0x55: {  	v9 =	vadd.f32 v62, v9;
	[tilespmem:s24+$0x130] =	vst v11  }
0x56: {  	v8 =	vadd.f32 v63, v8;
	[tilespmem:s24+$0x140] =	vst v10  }
0x57: {  	[tilespmem:s24+$0x150] =	vst v9  }
0x58: {  	[tilespmem:s24+$0x160] =	vst v8  }
0x59: {  	[hbm4b:s8+s12] =	stream.strided.scatter [tilespmem:s16], [sflag:$0x6], $0x4000, s16, s12, $0x38;
	[tilespmem:$0x8200] =	vst v63  }
0x5a: {  	_ =	swait.ge [sflag:s21], $0x4000  }
0x5b: {  	[sflag:s21] =	ssyncset.done $0x0  }
0x5c: {  	s25 =	simm.s32 $0x0;
	[sflag:s21] =	ssyncadd.s32 $0xFFFFC000  }
0x5d: {  	v9 =	vld [tilespmem:s25+$0x4170]  }
0x5e: {  	v13 =	vld [tilespmem:s25+$0x4100]  }
0x5f: {  	v14 =	vld [tilespmem:s25+$0x4110]  }
0x60: {  	v12 =	vld [tilespmem:s25+$0x4120]  }
0x61: {  	v11 =	vld [tilespmem:s25+$0x4130]  }
0x62: {  	v8 =	vld [tilespmem:s25+$0x4140];
	v15 =	vadd.f32 v9, v7  }
0x63: {  	v9 =	vld [tilespmem:s25+$0x4150];
	v13 =	vadd.f32 v13, v6  }
0x64: {  	s26 =	simm.s32 $0x400;
	s24 =	simm.s32 $0x80;
	v10 =	vld [tilespmem:s25+$0x4160];
	v14 =	vadd.f32 v14, v5;
	[tilespmem:s25+$0x4170] =	vst v15  }
.LBB2_4:
0x65: {  	p0 =	sne.s32 s26, $0xFE00;
	v15 =	vld [tilespmem:s24+$0x4170];
	[tilespmem:s25+$0x4100] =	vst v13;
	v12 =	vadd.f32 v12, v4  }
0x66: {  	v13 =	vld [tilespmem:s24+$0x4100];
	[tilespmem:s25+$0x4110] =	vst v14;
	v11 =	vadd.f32 v11, v3  }
0x67: {  	v14 =	vld [tilespmem:s24+$0x4110];
	[tilespmem:s25+$0x4120] =	vst v12;
	v8 =	vadd.f32 v8, v2  }
.Ltmp1:
0x68: {  	v12 =	vld [tilespmem:s24+$0x4120];
	[tilespmem:s25+$0x4130] =	vst v11;
	v9 =	vadd.f32 v9, v1;
	(pc) =	sbr.rel @p0 .LBB2_4-.Ltmp1, $4  }
0x69: {  	v11 =	vld [tilespmem:s24+$0x4130];
	[tilespmem:s25+$0x4140] =	vst v8;
	v10 =	vadd.f32 v10, v0  }
0x6a: {  	v8 =	vld [tilespmem:s24+$0x4140];
	v15 =	vadd.f32 v15, v7;
	[tilespmem:s25+$0x4150] =	vst v9  }
0x6b: {  	v13 =	vadd.f32 v13, v6;
	v9 =	vld [tilespmem:s24+$0x4150];
	[tilespmem:s25+$0x4160] =	vst v10;
	s25 =	smov.u32 s24  }
0x6c: {  	s24 =	sshra.s32 s26, $0x2;
	s26 =	sadd.s32 $0x200, s26;
	v14 =	vadd.f32 v14, v5;
	v10 =	vld [tilespmem:s25+$0x4160];
	[tilespmem:s25+$0x4170] =	vst v15  }
0x6d: {  	v15 =	vld [tilespmem:s24+$0x4170];
	[tilespmem:s25+$0x4100] =	vst v13;
	v12 =	vadd.f32 v12, v4  }
0x6e: {  	v51 =	vld [tilespmem:s24+$0x4100];
	[tilespmem:s25+$0x4110] =	vst v14;
	v11 =	vadd.f32 v11, v3  }
0x6f: {  	v52 =	vld [tilespmem:s24+$0x4110];
	[tilespmem:s25+$0x4120] =	vst v12;
	v8 =	vadd.f32 v8, v2  }
0x70: {  	v53 =	vld [tilespmem:s24+$0x4120];
	[tilespmem:s25+$0x4130] =	vst v11;
	v9 =	vadd.f32 v9, v1  }
0x71: {  	v54 =	vld [tilespmem:s24+$0x4130];
	[tilespmem:s25+$0x4140] =	vst v8;
	v55 =	vadd.f32 v10, v0  }
0x72: {  	v56 =	vld [tilespmem:s24+$0x4140];
	v7 =	vadd.f32 v15, v7;
	[tilespmem:s25+$0x4150] =	vst v9  }
0x73: {  	v57 =	vld [tilespmem:s24+$0x4150];
	v6 =	vadd.f32 v51, v6;
	[tilespmem:s25+$0x4160] =	vst v55  }
0x74: {  	v58 =	vld [tilespmem:s24+$0x4160];
	v5 =	vadd.f32 v52, v5;
	[tilespmem:s24+$0x4170] =	vst v7  }
0x75: {  	v59 =	vadd.f32 v53, v4;
	[tilespmem:s24+$0x4100] =	vst v6  }
0x76: {  	v60 =	vadd.f32 v54, v3;
	[tilespmem:s24+$0x4110] =	vst v5  }
0x77: {  	v61 =	vadd.f32 v56, v2;
	[tilespmem:s24+$0x4120] =	vst v59  }
0x78: {  	v62 =	vadd.f32 v57, v1;
	[tilespmem:s24+$0x4130] =	vst v60  }
0x79: {  	v63 =	vadd.f32 v58, v0;
	[tilespmem:s24+$0x4140] =	vst v61  }
0x7a: {  	[tilespmem:s24+$0x4150] =	vst v62  }
0x7b: {  	s23 =	sadd.s32 $0x1, s23;
	[tilespmem:s24+$0x4160] =	vst v63  }
0x7c: {  	[hbm4b:s10+s12] =	stream.strided.scatter [tilespmem:s18], [sflag:$0x6], $0x4000, s16, s12, $0x38;
	[tilespmem:$0x8200] =	vst v63  }
0x7d: {  	p0 =	sne.s32 s23, s11;
	_ =	swait.ge [sflag:s22], $0x4000  }
.Ltmp2:
0x7e: {  	[sflag:s22] =	ssyncset.done $0x0;
	(pc) =	sbr.rel @p0 .LBB2_1-.Ltmp2, $4  }
0x7f: {  	[sflag:s22] =	ssyncadd.s32 $0xFFFFC000  }
0x80: {  	_ =	swait.ge [sflag:s22], $0x4000  }
0x81: {  	[sflag:s22] =	ssyncset.done $0x0  }
0x82: {  	[sflag:s22] =	ssyncadd.s32 $0xFFFFC000  }
0x83: {  	_ =	sfence.sel $0x180000  }
0x84: {  	[bflag:$0x0] =	sbarrier.arrive $0xFFFF  }
0x85: {  	p0 =	sne.s32 s5, $0x0;
	_ =	strace $0x90000047  }
0x86: {  	s0 =	sadd.s32 @!p0 $0x100000, s0;
	[bflag:$0x2] =	sbarrier.arrive $0xFFFF  }
0x87: {  	[sflag:s0] =	ssyncadd.tile.s32 @!p0 $0x1;
	_ =	shalt  }
.Lfunc_end2:
_tile_overlayer_lowered:
.L_overlay_start_2:
0x88: {  	(tag) =	ssettag $0x2  }
0x89: {  	s0 =	rddreg [dreg:$0x0];
	s2 =	stileid.u32  }
0x8a: {  	s1 =	rddreg [dreg:$0x1];
	p0 =	sne.s32 s2, $0x0  }
0x8b: {  	s3 =	rddreg [dreg:$0x2];
	[bflag:$0x3] =	sbarrier.arrive $0xFFFF;
	s2 =	simm.s32 @!p0 $0x1C07  }
0x8c: {  	[timem:s3], [sflag:s2] =	dma.local @!p0 [hbm:s0], s1  }
0x8d: {  	s0 =	simm.s32 @!p0 $0x7  }
0x8e: {  	_ =	swait.ge @!p0 [sflag:s0], s1  }
0x8f: {  	s1 =	ssub.s32 @!p0 $0x0, s1;
	[sflag:s0] =	ssyncset.done @!p0 $0x0  }
0x90: {  	[sflag:s0] =	ssyncadd.s32 @!p0 s1  }
0x91: {  	[bflag:$0x3] =	sbarrier.arrive $0xFFFF  }
0x92: {  	_ =	shalt  }

</sc_bundles>
